<compile_context>
chip_gen: v7x
topology: tpu7x:2x2x1
jax: 0.10.2.dev20260603
libtpu: 0.0.44.dev20260713+nightly
codegen_flags: <defaults>
</compile_context>

<pallas_src>
import jax
import jax.numpy as jnp
from jax.experimental import pallas as pl
from jax.experimental.pallas import tpu as pltpu
from jax.experimental.pallas import tpu_sc as plsc

_NUM_EMB = 8192
_HALF = _NUM_EMB // 2
_DIM = 32
_ROW_BLOCK = 512
_GATHER_WINDOW = 128


def _vq_body(x_ref, emb_ref, idx_ref, loss_ref, em2_ref, esq_ref):
    i = pl.program_id(0)

    @pl.when(i == 0)
    def _precompute():
        emb = emb_ref[...]
        em2_ref[...] = -2.0 * emb
        esq_ref[...] = jnp.sum(emb * emb, axis=1)[None, :]
        loss_ref[...] = jnp.zeros((1, 1), jnp.float32)

    x = x_ref[...]
    isq = jnp.sum(x * x, axis=1, keepdims=True)
    mm2 = jax.lax.dot_general(
        x, em2_ref[...], dimension_numbers=(((1,), (1,)), ((), ())),
        preferred_element_type=jnp.float32)
    d = (isq + mm2) + esq_ref[...]

    d_lo = d[:, :_HALF]
    d_hi = d[:, _HALF:]
    v_lo = jnp.min(d_lo, axis=1, keepdims=True)
    v_hi = jnp.min(d_hi, axis=1, keepdims=True)
    am_lo = jnp.argmin(d_lo, axis=1).astype(jnp.int32)
    am_hi = jnp.argmin(d_hi, axis=1).astype(jnp.int32)

    key_lo = v_lo.astype(jnp.bfloat16).astype(jnp.float32)
    key_hi = jax.lax.bitcast_convert_type(
        jax.lax.bitcast_convert_type(v_hi, jnp.uint32)
        & jnp.uint32(0xFFFF8000), jnp.float32)
    pick_lo = key_lo <= key_hi
    am = jnp.where(pick_lo[:, 0], am_lo, am_hi + _HALF)
    idx_ref[...] = am[:, None]

    picked_v = jnp.where(pick_lo, v_lo, v_hi)
    loss_ref[...] += jnp.sum(picked_v).reshape(1, 1)


def _tc_part(flat_x, embeddings):
    rows = flat_x.shape[0]
    grid = rows // _ROW_BLOCK
    return pl.pallas_call(
        _vq_body,
        grid=(grid,),
        in_specs=[
            pl.BlockSpec((_ROW_BLOCK, _DIM), lambda i: (i, 0)),
            pl.BlockSpec((_NUM_EMB, _DIM), lambda i: (0, 0)),
        ],
        out_specs=[
            pl.BlockSpec((_ROW_BLOCK, 1), lambda i: (i, 0)),
            pl.BlockSpec((1, 1), lambda i: (0, 0)),
        ],
        out_shape=[
            jax.ShapeDtypeStruct((rows, 1), jnp.int32),
            jax.ShapeDtypeStruct((1, 1), jnp.float32),
        ],
        scratch_shapes=[
            pltpu.VMEM((_NUM_EMB, _DIM), jnp.float32),
            pltpu.VMEM((1, _NUM_EMB), jnp.float32),
        ],
    )(flat_x, embeddings)


def _sc_gather(emb_padded, idx_row):
    rows = idx_row.shape[1]
    width = emb_padded.shape[1]
    mesh = plsc.VectorSubcoreMesh(core_axis_name="core",
                                  subcore_axis_name="subcore")

    @pl.kernel(out_type=jax.ShapeDtypeStruct((rows, width), emb_padded.dtype),
               mesh=mesh)
    def gather_kernel(x_hbm, i_hbm, o_hbm):
        def body(i_vmem, o_vmem):
            pltpu.sync_copy(x_hbm.at[i_vmem.at[0]], o_vmem)

        pltpu.emit_pipeline(
            body,
            grid=(rows // _GATHER_WINDOW,),
            in_specs=[pl.BlockSpec((1, _GATHER_WINDOW),
                                   index_map=lambda i: (0, i))],
            out_specs=[pl.BlockSpec((_GATHER_WINDOW, width),
                                    index_map=lambda i: (i, 0))],
            core_axis_name="subcore",
            dimension_semantics=(pltpu.PARALLEL,),
        )(i_hbm, o_hbm)

    return gather_kernel(emb_padded, idx_row)


def _shard_fn(xs, emb):
    rows_local = xs.shape[0]
    idx, loss_part = _tc_part(xs, emb)
    emb_padded = jnp.pad(emb, ((0, 0), (0, 128 - _DIM)))
    gathered = _sc_gather(emb_padded, idx.reshape(1, rows_local))
    return idx, loss_part, gathered[:, :_DIM]


def kernel(inputs, embeddings):
    in_shape = inputs.shape
    rows = in_shape[0] * in_shape[1]
    flat_x = inputs.reshape(rows, _DIM)
    idx, loss_parts, quantized = _shard_fn(flat_x, embeddings)
    loss = jnp.sum(loss_parts) / jnp.float32(rows * _DIM)
    encoding_indices = idx.reshape(in_shape[:-1])
    return (quantized.reshape(in_shape), loss, encoding_indices)

# --- scband reference (transcript-rebuilt; emitter-appended) ---
"""Pipeline reference for scband-vector-quantizer-19215683682406 (READ-ONLY COPY).

The authoritative reference and input builder live on the scoring server;
editing this copy changes nothing except your own understanding.
"""

import jax, jax.numpy as jnp
import numpy as np

NUM_EMBEDDINGS = 8192
EMBEDDING_DIM = 32


def setup_inputs(seed: int = 0) -> dict:
    key = jax.random.key(seed)
    k1, k2 = jax.random.split(key)
    inputs = jax.random.normal(k1, (16, 1024, 32), dtype=jnp.float32)
    embeddings = jax.random.normal(k2, (NUM_EMBEDDINGS, EMBEDDING_DIM), dtype=jnp.float32)
    return {"inputs": inputs, "embeddings": embeddings}


def reference(inputs, embeddings):
    # Eval-mode forward of VectorQuantizer (no EMA buffer updates).
    input_shape = inputs.shape
    flat_input = inputs.reshape(-1, EMBEDDING_DIM)
    input_sq = jnp.sum(flat_input ** 2, axis=1, keepdims=True)
    emb_sq = jnp.sum(embeddings ** 2, axis=1)
    distances = input_sq - 2.0 * jnp.matmul(flat_input, embeddings.T) + emb_sq
    encoding_indices = jnp.argmin(distances, axis=1)
    quantized = jnp.take(embeddings, encoding_indices, axis=0)
    quantized = quantized.reshape(input_shape)
    encoding_indices = encoding_indices.reshape(input_shape[:-1])
    # use_commitment=False path: loss = mse(quantized.detach(), inputs)
    loss = jnp.mean((jax.lax.stop_gradient(quantized) - inputs) ** 2)
    # straight-through estimator
    quantized_st = inputs + jax.lax.stop_gradient(quantized - inputs)
    return (quantized_st, loss, encoding_indices)

if __name__ == "__main__":
    import jax
    _d = setup_inputs()
    print(jax.jit(kernel)(*tuple(_d.values())))

</pallas_src>

<mosaic_0001>
#map = affine_map<(d0, d1) -> (0, 0)>
module attributes {stable_mosaic.version = 14 : i64} {
  func.func @gather_kernel(%arg0: i32, %arg1: i32, %arg2: memref<8192x128xf32, #tpu.memory_space<hbm>>, %arg3: memref<1x16384xi32, #tpu.memory_space<hbm>>, %arg4: memref<16384x128xf32, #tpu.memory_space<hbm>>) attributes {dimension_semantics = [#tpu.dimension_semantics<core_parallel>, #tpu.dimension_semantics<subcore_parallel>], iteration_bounds = array<i64: 2, 16>, scalar_prefetch = 0 : i64, scratch_operands = 0 : i64, tpu.core_type = #tpu.core_type<sc_vector_subcore>, window_params = [{transform_indices = #map}, {transform_indices = #map}, {transform_indices = #map}]} {
    %mul3A = arith.constant 8 : i32
    %mul3A_0 = arith.muli %arg1, %mul3A : i32
    "tpu.region"() ({
      %run_scoped3A = memref.alloca() : memref<2x1x128xi32, #tpu.memory_space<vmem>>
      %run_scoped3A_1 = tpu.sem_alloc : memref<2x!tpu.dma_semaphore, #tpu.memory_space<semaphore_mem>>
      %run_scoped3A_2 = memref.alloca() : memref<2x128x128xf32, #tpu.memory_space<vmem>>
      %run_scoped3A_3 = tpu.sem_alloc : memref<2x!tpu.dma_semaphore, #tpu.memory_space<semaphore_mem>>
      %add3A = arith.constant 0 : i32
      %add3A_4 = arith.addi %add3A, %mul3A_0 : i32
      %select_n3A = arith.constant true
      %select_n3A_5 = arith.constant 0 : i32
      %select_n3A_6 = arith.constant -1 : i32
      %select_n3A_7 = arith.select %select_n3A, %select_n3A_6, %select_n3A_5 : i32
      %eq3A = arith.constant -1 : i32
      %eq3A_8 = arith.cmpi eq, %select_n3A_7, %eq3A : i32
      %select_n3A_9 = arith.constant 7 : i32
      %select_n3A_10 = arith.select %eq3A_8, %select_n3A_9, %select_n3A_7 : i32
      %add3A_11 = arith.addi %select_n3A_10, %mul3A_0 : i32
      %select_n3A_12 = arith.constant true
      %select_n3A_13 = arith.constant 0 : i32
      %select_n3A_14 = arith.constant 1 : i32
      %select_n3A_15 = arith.select %select_n3A_12, %select_n3A_14, %select_n3A_13 : i32
      %eq3A_16 = arith.constant 8 : i32
      %eq3A_17 = arith.cmpi eq, %select_n3A_15, %eq3A_16 : i32
      %select_n3A_18 = arith.constant 0 : i32
      %select_n3A_19 = arith.select %eq3A_17, %select_n3A_18, %select_n3A_15 : i32
      %add3A_20 = arith.addi %select_n3A_19, %mul3A_0 : i32
      %add3A_21 = arith.constant 1 : i32
      %add3A_22 = arith.addi %select_n3A_19, %add3A_21 : i32
      %select_n3A_23 = arith.constant true
      %select_n3A_24 = arith.select %select_n3A_23, %add3A_22, %select_n3A_19 : i32
      %eq3A_25 = arith.constant 8 : i32
      %eq3A_26 = arith.cmpi eq, %select_n3A_24, %eq3A_25 : i32
      %select_n3A_27 = arith.constant 0 : i32
      %select_n3A_28 = arith.select %eq3A_26, %select_n3A_27, %select_n3A_24 : i32
      %add3A_29 = arith.addi %select_n3A_28, %mul3A_0 : i32
      "tpu.trace_start"() <{level = 10 : i32, message = "ep_initialize_0"}> : () -> ()
      %rem3A = arith.constant 0 : i32
      %rem3A_30 = arith.constant 2 : i32
      %rem3A_31 = arith.remui %rem3A, %rem3A_30 : i32
      %mul3A_32 = arith.constant 128 : i32
      %mul3A_33 = arith.muli %mul3A_32, %add3A_4 : i32
      %dma_start3A = arith.constant 0 : i32
      %dma_start3A_34 = arith.constant 0 : i32
      %dma_start3A_35 = tpu.memref_slice %run_scoped3A[%rem3A_31, %dma_start3A, %dma_start3A_34] : memref<2x1x128xi32, #tpu.memory_space<vmem>> -> memref<1x1x128xi32, #tpu.memory_space<vmem>>
      %dma_start3A_36 = tpu.memref_squeeze %dma_start3A_35 : memref<1x1x128xi32, #tpu.memory_space<vmem>> -> memref<1x128xi32, #tpu.memory_space<vmem>>
      %dma_start3A_37 = arith.constant 0 : i32
      %dma_start3A_38 = tpu.memref_slice %arg3[%dma_start3A_37, %mul3A_33] : memref<1x16384xi32, #tpu.memory_space<hbm>> -> memref<1x128xi32, #tpu.memory_space<hbm>>
      %dma_start3A_39 = tpu.memref_slice %run_scoped3A_1[%rem3A_31] : memref<2x!tpu.dma_semaphore, #tpu.memory_space<semaphore_mem>> -> memref<1x!tpu.dma_semaphore, #tpu.memory_space<semaphore_mem>>
      %dma_start3A_40 = tpu.memref_squeeze %dma_start3A_39 : memref<1x!tpu.dma_semaphore, #tpu.memory_space<semaphore_mem>> -> memref<!tpu.dma_semaphore, #tpu.memory_space<semaphore_mem>>
      %dma_start3A_41 = arith.constant 0 : i32
      %dma_start3A_42 = arith.constant 0 : i32
      %dma_start3A_43 = tpu.memref_slice %run_scoped3A[%rem3A_31, %dma_start3A_41, %dma_start3A_42] : memref<2x1x128xi32, #tpu.memory_space<vmem>> -> memref<1x1x128xi32, #tpu.memory_space<vmem>>
      %dma_start3A_44 = tpu.memref_squeeze %dma_start3A_43 : memref<1x1x128xi32, #tpu.memory_space<vmem>> -> memref<1x128xi32, #tpu.memory_space<vmem>>
      %dma_start3A_45 = arith.constant 0 : i32
      %dma_start3A_46 = tpu.memref_slice %arg3[%dma_start3A_45, %mul3A_33] : memref<1x16384xi32, #tpu.memory_space<hbm>> -> memref<1x128xi32, #tpu.memory_space<hbm>>
      tpu.enqueue_dma source(%dma_start3A_46 : memref<1x128xi32, #tpu.memory_space<hbm>>) target(%dma_start3A_44 : memref<1x128xi32, #tpu.memory_space<vmem>>) target_semaphore(%dma_start3A_40 : memref<!tpu.dma_semaphore, #tpu.memory_space<semaphore_mem>>)
      %add3A_47 = arith.constant 0 : i32
      %add3A_48 = arith.constant 1 : i32
      %add3A_49 = arith.addi %add3A_47, %add3A_48 : i32
      %select_n3A_50 = arith.constant true
      %select_n3A_51 = arith.constant 0 : i32
      %select_n3A_52 = arith.select %select_n3A_50, %add3A_49, %select_n3A_51 : i32
      "tpu.trace_stop"() : () -> ()
      %scan3A = arith.constant 0 : i32
      %scan3A_53 = arith.constant 0 : i32
      %scan3A_54 = arith.constant 0 : i32
      %scan3A_55 = arith.constant 0 : i32
      %scan3A_56 = arith.constant 0 : i32
      %scan3A_57 = arith.constant 8 : i32
      %scan3A_58 = arith.addi %scan3A_56, %scan3A_57 : i32
      %scan3A_59 = arith.constant 1 : i32
      %scan3A_60:5 = scf.for %scan3A_114 = %scan3A_56 to %scan3A_58 step %scan3A_59 iter_args(%scan3A_115 = %select_n3A_52, %scan3A_116 = %scan3A, %scan3A_117 = %scan3A_53, %scan3A_118 = %scan3A_54, %scan3A_119 = %scan3A_55) -> (i32, i32, i32, i32, i32)  : i32 {
        %eq3A_120 = arith.constant 0 : i32
        %eq3A_121 = arith.cmpi eq, %scan3A_114, %eq3A_120 : i32
        %eq3A_122 = arith.constant 7 : i32
        %eq3A_123 = arith.cmpi eq, %scan3A_114, %eq3A_122 : i32
        %add3A_124 = arith.addi %scan3A_119, %mul3A_0 : i32
        %sub3A_125 = arith.constant 1 : i32
        %sub3A_126 = arith.subi %scan3A_119, %sub3A_125 : i32
        %select_n3A_127 = arith.constant true
        %select_n3A_128 = arith.select %select_n3A_127, %sub3A_126, %scan3A_119 : i32
        %eq3A_129 = arith.constant -1 : i32
        %eq3A_130 = arith.cmpi eq, %select_n3A_128, %eq3A_129 : i32
        %select_n3A_131 = arith.constant 7 : i32
        %select_n3A_132 = arith.select %eq3A_130, %select_n3A_131, %select_n3A_128 : i32
        %add3A_133 = arith.addi %select_n3A_132, %mul3A_0 : i32
        %add3A_134 = arith.constant 1 : i32
        %add3A_135 = arith.addi %scan3A_119, %add3A_134 : i32
        %select_n3A_136 = arith.constant true
        %select_n3A_137 = arith.select %select_n3A_136, %add3A_135, %scan3A_119 : i32
        %eq3A_138 = arith.constant 8 : i32
        %eq3A_139 = arith.cmpi eq, %select_n3A_137, %eq3A_138 : i32
        %select_n3A_140 = arith.constant 0 : i32
        %select_n3A_141 = arith.select %eq3A_139, %select_n3A_140, %select_n3A_137 : i32
        %add3A_142 = arith.addi %select_n3A_141, %mul3A_0 : i32
        %add3A_143 = arith.constant 1 : i32
        %add3A_144 = arith.addi %select_n3A_141, %add3A_143 : i32
        %select_n3A_145 = arith.constant true
        %select_n3A_146 = arith.select %select_n3A_145, %add3A_144, %select_n3A_141 : i32
        %eq3A_147 = arith.constant 8 : i32
        %eq3A_148 = arith.cmpi eq, %select_n3A_146, %eq3A_147 : i32
        %select_n3A_149 = arith.constant 0 : i32
        %select_n3A_150 = arith.select %eq3A_148, %select_n3A_149, %select_n3A_146 : i32
        %add3A_151 = arith.addi %select_n3A_150, %mul3A_0 : i32
        %ne3A = arith.cmpi ne, %add3A_124, %add3A_142 : i32
        %or3A = arith.constant false
        %or3A_152 = arith.ori %or3A, %ne3A : i1
        %ge3A = arith.constant 7 : i32
        %ge3A_153 = arith.cmpi sge, %scan3A_114, %ge3A : i32
        %not3A = arith.constant true
        %not3A_154 = arith.xori %ge3A_153, %not3A : i1
        %and3A = arith.andi %or3A_152, %not3A_154 : i1
        %convert_element_type3A = arith.extui %and3A : i1 to i32
        %cond3A = arith.constant 0 : i32
        %cond3A_155 = arith.cmpi ne, %convert_element_type3A, %cond3A : i32
        scf.if %cond3A_155 {
          "tpu.trace_start"() <{level = 10 : i32, message = "ep_copy_in"}> : () -> ()
          %rem3A_257 = arith.constant 2 : i32
          %rem3A_258 = arith.remui %scan3A_115, %rem3A_257 : i32
          %mul3A_259 = arith.constant 128 : i32
          %mul3A_260 = arith.muli %mul3A_259, %add3A_142 : i32
          %dma_start3A_261 = arith.constant 0 : i32
          %dma_start3A_262 = arith.constant 0 : i32
          %dma_start3A_263 = tpu.memref_slice %run_scoped3A[%rem3A_258, %dma_start3A_261, %dma_start3A_262] : memref<2x1x128xi32, #tpu.memory_space<vmem>> -> memref<1x1x128xi32, #tpu.memory_space<vmem>>
          %dma_start3A_264 = tpu.memref_squeeze %dma_start3A_263 : memref<1x1x128xi32, #tpu.memory_space<vmem>> -> memref<1x128xi32, #tpu.memory_space<vmem>>
          %dma_start3A_265 = arith.constant 0 : i32
          %dma_start3A_266 = tpu.memref_slice %arg3[%dma_start3A_265, %mul3A_260] : memref<1x16384xi32, #tpu.memory_space<hbm>> -> memref<1x128xi32, #tpu.memory_space<hbm>>
          %dma_start3A_267 = tpu.memref_slice %run_scoped3A_1[%rem3A_258] : memref<2x!tpu.dma_semaphore, #tpu.memory_space<semaphore_mem>> -> memref<1x!tpu.dma_semaphore, #tpu.memory_space<semaphore_mem>>
          %dma_start3A_268 = tpu.memref_squeeze %dma_start3A_267 : memref<1x!tpu.dma_semaphore, #tpu.memory_space<semaphore_mem>> -> memref<!tpu.dma_semaphore, #tpu.memory_space<semaphore_mem>>
          %dma_start3A_269 = arith.constant 0 : i32
          %dma_start3A_270 = arith.constant 0 : i32
          %dma_start3A_271 = tpu.memref_slice %run_scoped3A[%rem3A_258, %dma_start3A_269, %dma_start3A_270] : memref<2x1x128xi32, #tpu.memory_space<vmem>> -> memref<1x1x128xi32, #tpu.memory_space<vmem>>
          %dma_start3A_272 = tpu.memref_squeeze %dma_start3A_271 : memref<1x1x128xi32, #tpu.memory_space<vmem>> -> memref<1x128xi32, #tpu.memory_space<vmem>>
          %dma_start3A_273 = arith.constant 0 : i32
          %dma_start3A_274 = tpu.memref_slice %arg3[%dma_start3A_273, %mul3A_260] : memref<1x16384xi32, #tpu.memory_space<hbm>> -> memref<1x128xi32, #tpu.memory_space<hbm>>
          tpu.enqueue_dma source(%dma_start3A_274 : memref<1x128xi32, #tpu.memory_space<hbm>>) target(%dma_start3A_272 : memref<1x128xi32, #tpu.memory_space<vmem>>) target_semaphore(%dma_start3A_268 : memref<!tpu.dma_semaphore, #tpu.memory_space<semaphore_mem>>)
          "tpu.trace_stop"() : () -> ()
        } else {
        }
        %and3A_156 = arith.constant true
        %and3A_157 = arith.andi %and3A, %and3A_156 : i1
        %add3A_158 = arith.constant 1 : i32
        %add3A_159 = arith.addi %scan3A_115, %add3A_158 : i32
        %select_n3A_160 = arith.select %and3A_157, %add3A_159, %scan3A_115 : i32
        %ne3A_161 = arith.cmpi ne, %add3A_124, %add3A_142 : i32
        %or3A_162 = arith.constant false
        %or3A_163 = arith.ori %or3A_162, %ne3A_161 : i1
        %or3A_164 = arith.constant false
        %or3A_165 = arith.ori %or3A_163, %or3A_164 : i1
        %ge3A_166 = arith.constant 7 : i32
        %ge3A_167 = arith.cmpi sge, %scan3A_114, %ge3A_166 : i32
        %not3A_168 = arith.constant true
        %not3A_169 = arith.xori %ge3A_167, %not3A_168 : i1
        %and3A_170 = arith.andi %or3A_165, %not3A_169 : i1
        %ne3A_171 = arith.cmpi ne, %add3A_124, %add3A_133 : i32
        %or3A_172 = arith.constant false
        %or3A_173 = arith.ori %or3A_172, %ne3A_171 : i1
        %or3A_174 = arith.ori %or3A_173, %eq3A_121 : i1
        %convert_element_type3A_175 = arith.extui %or3A_174 : i1 to i32
        %cond3A_176 = arith.constant 0 : i32
        %cond3A_177 = arith.cmpi ne, %convert_element_type3A_175, %cond3A_176 : i32
        scf.if %cond3A_177 {
          "tpu.trace_start"() <{level = 10 : i32, message = "ep_wait_in"}> : () -> ()
          %mul3A_257 = arith.constant 128 : i32
          %mul3A_258 = arith.muli %mul3A_257, %add3A_124 : i32
          %rem3A_259 = arith.constant 2 : i32
          %rem3A_260 = arith.remui %scan3A_116, %rem3A_259 : i32
          %dma_wait3A_261 = arith.constant 0 : i32
          %dma_wait3A_262 = arith.constant 0 : i32
          %dma_wait3A_263 = tpu.memref_slice %run_scoped3A[%rem3A_260, %dma_wait3A_261, %dma_wait3A_262] : memref<2x1x128xi32, #tpu.memory_space<vmem>> -> memref<1x1x128xi32, #tpu.memory_space<vmem>>
          %dma_wait3A_264 = tpu.memref_squeeze %dma_wait3A_263 : memref<1x1x128xi32, #tpu.memory_space<vmem>> -> memref<1x128xi32, #tpu.memory_space<vmem>>
          %dma_wait3A_265 = arith.constant 0 : i32
          %dma_wait3A_266 = tpu.memref_slice %arg3[%dma_wait3A_265, %mul3A_258] : memref<1x16384xi32, #tpu.memory_space<hbm>> -> memref<1x128xi32, #tpu.memory_space<hbm>>
          %dma_wait3A_267 = tpu.memref_slice %run_scoped3A_1[%rem3A_260] : memref<2x!tpu.dma_semaphore, #tpu.memory_space<semaphore_mem>> -> memref<1x!tpu.dma_semaphore, #tpu.memory_space<semaphore_mem>>
          %dma_wait3A_268 = tpu.memref_squeeze %dma_wait3A_267 : memref<1x!tpu.dma_semaphore, #tpu.memory_space<semaphore_mem>> -> memref<!tpu.dma_semaphore, #tpu.memory_space<semaphore_mem>>
          %dma_wait3A_269 = arith.constant 0 : i32
          %dma_wait3A_270 = arith.constant 0 : i32
          %dma_wait3A_271 = tpu.memref_slice %run_scoped3A[%rem3A_260, %dma_wait3A_269, %dma_wait3A_270] : memref<2x1x128xi32, #tpu.memory_space<vmem>> -> memref<1x1x128xi32, #tpu.memory_space<vmem>>
          %dma_wait3A_272 = tpu.memref_squeeze %dma_wait3A_271 : memref<1x1x128xi32, #tpu.memory_space<vmem>> -> memref<1x128xi32, #tpu.memory_space<vmem>>
          %dma_wait3A_273 = arith.constant 0 : i32
          %dma_wait3A_274 = tpu.memref_slice %arg3[%dma_wait3A_273, %mul3A_258] : memref<1x16384xi32, #tpu.memory_space<hbm>> -> memref<1x128xi32, #tpu.memory_space<hbm>>
          tpu.wait_dma2 semaphore(%dma_wait3A_268 : memref<!tpu.dma_semaphore, #tpu.memory_space<semaphore_mem>>) src(%dma_wait3A_274 : memref<1x128xi32, #tpu.memory_space<hbm>>) dst(%dma_wait3A_272 : memref<1x128xi32, #tpu.memory_space<vmem>>)
          "tpu.trace_stop"() : () -> ()
        } else {
        }
        %ne3A_178 = arith.cmpi ne, %add3A_124, %add3A_133 : i32
        %or3A_179 = arith.constant false
        %or3A_180 = arith.ori %or3A_179, %ne3A_178 : i1
        %or3A_181 = arith.constant false
        %or3A_182 = arith.ori %or3A_180, %or3A_181 : i1
        %or3A_183 = arith.ori %or3A_182, %eq3A_121 : i1
        %convert_element_type3A_184 = arith.extui %or3A_183 : i1 to i32
        %cond3A_185 = arith.constant 0 : i32
        %cond3A_186 = arith.cmpi ne, %convert_element_type3A_184, %cond3A_185 : i32
        scf.if %cond3A_186 {
        } else {
        }
        %rem3A_187 = arith.constant 2 : i32
        %rem3A_188 = arith.remui %scan3A_116, %rem3A_187 : i32
        %rem3A_189 = arith.constant 2 : i32
        %rem3A_190 = arith.remui %scan3A_117, %rem3A_189 : i32
        %run_scoped3A_191 = arith.constant 0 : i32
        "tpu.trace_start"() <{level = 10 : i32, message = "ep_run_kernel"}> : () -> ()
        "tpu.region"() ({
          %run_scoped3A_257 = tpu.sem_alloc : memref<!tpu.dma_semaphore, #tpu.memory_space<semaphore_mem>>
          %dma_start3A_258 = arith.constant 0 : i32
          %dma_start3A_259 = arith.constant 0 : i32
          %dma_start3A_260 = tpu.memref_slice %run_scoped3A_2[%rem3A_190, %dma_start3A_258, %dma_start3A_259] : memref<2x128x128xf32, #tpu.memory_space<vmem>> -> memref<1x128x128xf32, #tpu.memory_space<vmem>>
          %dma_start3A_261 = tpu.memref_squeeze %dma_start3A_260 : memref<1x128x128xf32, #tpu.memory_space<vmem>> -> memref<128x128xf32, #tpu.memory_space<vmem>>
          %dma_start3A_262 = arith.constant 0 : i32
          %dma_start3A_263 = arith.constant 0 : i32
          %dma_start3A_264 = tpu.memref_slice %run_scoped3A[%rem3A_188, %dma_start3A_262, %dma_start3A_263] : memref<2x1x128xi32, #tpu.memory_space<vmem>> -> memref<1x1x128xi32, #tpu.memory_space<vmem>>
          %dma_start3A_265 = tpu.memref_squeeze %dma_start3A_264 : memref<1x1x128xi32, #tpu.memory_space<vmem>> -> memref<1x128xi32, #tpu.memory_space<vmem>>
          %dma_start3A_266 = arith.constant 0 : i32
          %dma_start3A_267 = tpu.memref_slice %dma_start3A_265[%run_scoped3A_191, %dma_start3A_266] : memref<1x128xi32, #tpu.memory_space<vmem>> -> memref<1x128xi32, #tpu.memory_space<vmem>>
          %dma_start3A_268 = tpu.memref_squeeze %dma_start3A_267 : memref<1x128xi32, #tpu.memory_space<vmem>> -> memref<128xi32, #tpu.memory_space<vmem>>
          %dma_start3A_269 = arith.constant 0 : i32
          %dma_start3A_270 = arith.constant 0 : i32
          %dma_start3A_271 = tpu.memref_slice %arg2[%dma_start3A_269, %dma_start3A_270] : memref<8192x128xf32, #tpu.memory_space<hbm>> -> memref<8192x128xf32, #tpu.memory_space<hbm>>
          tpu.enqueue_indirect_dma source(%dma_start3A_271 : memref<8192x128xf32, #tpu.memory_space<hbm>>) target(%dma_start3A_261 : memref<128x128xf32, #tpu.memory_space<vmem>>) offsets(%dma_start3A_268 : memref<128xi32, #tpu.memory_space<vmem>>) semaphore(%run_scoped3A_257 : memref<!tpu.dma_semaphore, #tpu.memory_space<semaphore_mem>>)
          %dma_wait3A_272 = arith.constant 0 : i32
          %dma_wait3A_273 = arith.constant 0 : i32
          %dma_wait3A_274 = tpu.memref_slice %run_scoped3A_2[%rem3A_190, %dma_wait3A_272, %dma_wait3A_273] : memref<2x128x128xf32, #tpu.memory_space<vmem>> -> memref<1x128x128xf32, #tpu.memory_space<vmem>>
          %dma_wait3A_275 = tpu.memref_squeeze %dma_wait3A_274 : memref<1x128x128xf32, #tpu.memory_space<vmem>> -> memref<128x128xf32, #tpu.memory_space<vmem>>
          %dma_wait3A_276 = arith.constant 0 : i32
          %dma_wait3A_277 = arith.constant 0 : i32
          %dma_wait3A_278 = tpu.memref_slice %run_scoped3A[%rem3A_188, %dma_wait3A_276, %dma_wait3A_277] : memref<2x1x128xi32, #tpu.memory_space<vmem>> -> memref<1x1x128xi32, #tpu.memory_space<vmem>>
          %dma_wait3A_279 = tpu.memref_squeeze %dma_wait3A_278 : memref<1x1x128xi32, #tpu.memory_space<vmem>> -> memref<1x128xi32, #tpu.memory_space<vmem>>
          %dma_wait3A_280 = arith.constant 0 : i32
          %dma_wait3A_281 = tpu.memref_slice %dma_wait3A_279[%run_scoped3A_191, %dma_wait3A_280] : memref<1x128xi32, #tpu.memory_space<vmem>> -> memref<1x128xi32, #tpu.memory_space<vmem>>
          %dma_wait3A_282 = tpu.memref_squeeze %dma_wait3A_281 : memref<1x128xi32, #tpu.memory_space<vmem>> -> memref<128xi32, #tpu.memory_space<vmem>>
          %dma_wait3A_283 = arith.constant 0 : i32
          %dma_wait3A_284 = arith.constant 0 : i32
          %dma_wait3A_285 = tpu.memref_slice %arg2[%dma_wait3A_283, %dma_wait3A_284] : memref<8192x128xf32, #tpu.memory_space<hbm>> -> memref<8192x128xf32, #tpu.memory_space<hbm>>
          tpu.wait_indirect_dma semaphore(%run_scoped3A_257 : memref<!tpu.dma_semaphore, #tpu.memory_space<semaphore_mem>>) src(%dma_wait3A_285 : memref<8192x128xf32, #tpu.memory_space<hbm>>) dst(%dma_wait3A_275 : memref<128x128xf32, #tpu.memory_space<vmem>>)
          tpu.yield
        }) : () -> ()
        "tpu.trace_stop"() : () -> ()
        %ne3A_192 = arith.cmpi ne, %add3A_124, %add3A_142 : i32
        %or3A_193 = arith.constant false
        %or3A_194 = arith.ori %or3A_193, %ne3A_192 : i1
        %or3A_195 = arith.ori %or3A_194, %eq3A_123 : i1
        %convert_element_type3A_196 = arith.extui %or3A_195 : i1 to i32
        %cond3A_197 = arith.constant 0 : i32
        %cond3A_198 = arith.cmpi ne, %convert_element_type3A_196, %cond3A_197 : i32
        scf.if %cond3A_198 {
        } else {
        }
        %and3A_199 = arith.constant false
        %and3A_200 = arith.andi %or3A_195, %and3A_199 : i1
        %ne3A_201 = arith.cmpi ne, %add3A_124, %add3A_142 : i32
        %or3A_202 = arith.constant false
        %or3A_203 = arith.ori %or3A_202, %ne3A_201 : i1
        %or3A_204 = arith.constant false
        %or3A_205 = arith.ori %or3A_203, %or3A_204 : i1
        %or3A_206 = arith.ori %or3A_205, %eq3A_123 : i1
        %convert_element_type3A_207 = arith.extui %or3A_206 : i1 to i32
        %cond3A_208 = arith.constant 0 : i32
        %cond3A_209 = arith.cmpi ne, %convert_element_type3A_207, %cond3A_208 : i32
        scf.if %cond3A_209 {
          "tpu.trace_start"() <{level = 10 : i32, message = "ep_copy_out"}> : () -> ()
          %rem3A_257 = arith.constant 2 : i32
          %rem3A_258 = arith.remui %scan3A_117, %rem3A_257 : i32
          %mul3A_259 = arith.constant 128 : i32
          %mul3A_260 = arith.muli %mul3A_259, %add3A_124 : i32
          %dma_start3A_261 = arith.constant 0 : i32
          %dma_start3A_262 = arith.constant 0 : i32
          %dma_start3A_263 = tpu.memref_slice %run_scoped3A_2[%rem3A_258, %dma_start3A_261, %dma_start3A_262] : memref<2x128x128xf32, #tpu.memory_space<vmem>> -> memref<1x128x128xf32, #tpu.memory_space<vmem>>
          %dma_start3A_264 = tpu.memref_squeeze %dma_start3A_263 : memref<1x128x128xf32, #tpu.memory_space<vmem>> -> memref<128x128xf32, #tpu.memory_space<vmem>>
          %dma_start3A_265 = arith.constant 0 : i32
          %dma_start3A_266 = tpu.memref_slice %arg4[%mul3A_260, %dma_start3A_265] : memref<16384x128xf32, #tpu.memory_space<hbm>> -> memref<128x128xf32, #tpu.memory_space<hbm>>
          %dma_start3A_267 = tpu.memref_slice %run_scoped3A_3[%rem3A_258] : memref<2x!tpu.dma_semaphore, #tpu.memory_space<semaphore_mem>> -> memref<1x!tpu.dma_semaphore, #tpu.memory_space<semaphore_mem>>
          %dma_start3A_268 = tpu.memref_squeeze %dma_start3A_267 : memref<1x!tpu.dma_semaphore, #tpu.memory_space<semaphore_mem>> -> memref<!tpu.dma_semaphore, #tpu.memory_space<semaphore_mem>>
          %dma_start3A_269 = arith.constant 0 : i32
          %dma_start3A_270 = tpu.memref_slice %arg4[%mul3A_260, %dma_start3A_269] : memref<16384x128xf32, #tpu.memory_space<hbm>> -> memref<128x128xf32, #tpu.memory_space<hbm>>
          %dma_start3A_271 = arith.constant 0 : i32
          %dma_start3A_272 = arith.constant 0 : i32
          %dma_start3A_273 = tpu.memref_slice %run_scoped3A_2[%rem3A_258, %dma_start3A_271, %dma_start3A_272] : memref<2x128x128xf32, #tpu.memory_space<vmem>> -> memref<1x128x128xf32, #tpu.memory_space<vmem>>
          %dma_start3A_274 = tpu.memref_squeeze %dma_start3A_273 : memref<1x128x128xf32, #tpu.memory_space<vmem>> -> memref<128x128xf32, #tpu.memory_space<vmem>>
          tpu.enqueue_dma source(%dma_start3A_274 : memref<128x128xf32, #tpu.memory_space<vmem>>) target(%dma_start3A_270 : memref<128x128xf32, #tpu.memory_space<hbm>>) target_semaphore(%dma_start3A_268 : memref<!tpu.dma_semaphore, #tpu.memory_space<semaphore_mem>>)
          "tpu.trace_stop"() : () -> ()
        } else {
        }
        %and3A_210 = arith.constant true
        %and3A_211 = arith.andi %or3A_206, %and3A_210 : i1
        %add3A_212 = arith.constant 1 : i32
        %add3A_213 = arith.addi %scan3A_117, %add3A_212 : i32
        %select_n3A_214 = arith.select %and3A_211, %add3A_213, %scan3A_117 : i32
        %ne3A_215 = arith.cmpi ne, %add3A_124, %add3A_133 : i32
        %or3A_216 = arith.constant false
        %or3A_217 = arith.ori %or3A_216, %ne3A_215 : i1
        %not3A_218 = arith.constant true
        %not3A_219 = arith.xori %eq3A_121, %not3A_218 : i1
        %and3A_220 = arith.andi %or3A_217, %not3A_219 : i1
        %convert_element_type3A_221 = arith.extui %and3A_220 : i1 to i32
        %cond3A_222 = arith.constant 0 : i32
        %cond3A_223 = arith.cmpi ne, %convert_element_type3A_221, %cond3A_222 : i32
        scf.if %cond3A_223 {
        } else {
        }
        %and3A_224 = arith.constant false
        %and3A_225 = arith.andi %and3A_220, %and3A_224 : i1
        %ne3A_226 = arith.cmpi ne, %add3A_124, %add3A_133 : i32
        %or3A_227 = arith.constant false
        %or3A_228 = arith.ori %or3A_227, %ne3A_226 : i1
        %or3A_229 = arith.constant false
        %or3A_230 = arith.ori %or3A_228, %or3A_229 : i1
        %not3A_231 = arith.constant true
        %not3A_232 = arith.xori %eq3A_121, %not3A_231 : i1
        %and3A_233 = arith.andi %or3A_230, %not3A_232 : i1
        %convert_element_type3A_234 = arith.extui %and3A_233 : i1 to i32
        %cond3A_235 = arith.constant 0 : i32
        %cond3A_236 = arith.cmpi ne, %convert_element_type3A_234, %cond3A_235 : i32
        scf.if %cond3A_236 {
          "tpu.trace_start"() <{level = 10 : i32, message = "ep_wait_out"}> : () -> ()
          %rem3A_257 = arith.constant 2 : i32
          %rem3A_258 = arith.remui %scan3A_118, %rem3A_257 : i32
          %mul3A_259 = arith.constant 128 : i32
          %mul3A_260 = arith.muli %mul3A_259, %add3A_133 : i32
          %dma_wait3A_261 = arith.constant 0 : i32
          %dma_wait3A_262 = arith.constant 0 : i32
          %dma_wait3A_263 = tpu.memref_slice %run_scoped3A_2[%rem3A_258, %dma_wait3A_261, %dma_wait3A_262] : memref<2x128x128xf32, #tpu.memory_space<vmem>> -> memref<1x128x128xf32, #tpu.memory_space<vmem>>
          %dma_wait3A_264 = tpu.memref_squeeze %dma_wait3A_263 : memref<1x128x128xf32, #tpu.memory_space<vmem>> -> memref<128x128xf32, #tpu.memory_space<vmem>>
          %dma_wait3A_265 = arith.constant 0 : i32
          %dma_wait3A_266 = tpu.memref_slice %arg4[%mul3A_260, %dma_wait3A_265] : memref<16384x128xf32, #tpu.memory_space<hbm>> -> memref<128x128xf32, #tpu.memory_space<hbm>>
          %dma_wait3A_267 = tpu.memref_slice %run_scoped3A_3[%rem3A_258] : memref<2x!tpu.dma_semaphore, #tpu.memory_space<semaphore_mem>> -> memref<1x!tpu.dma_semaphore, #tpu.memory_space<semaphore_mem>>
          %dma_wait3A_268 = tpu.memref_squeeze %dma_wait3A_267 : memref<1x!tpu.dma_semaphore, #tpu.memory_space<semaphore_mem>> -> memref<!tpu.dma_semaphore, #tpu.memory_space<semaphore_mem>>
          %dma_wait3A_269 = arith.constant 0 : i32
          %dma_wait3A_270 = tpu.memref_slice %arg4[%mul3A_260, %dma_wait3A_269] : memref<16384x128xf32, #tpu.memory_space<hbm>> -> memref<128x128xf32, #tpu.memory_space<hbm>>
          %dma_wait3A_271 = arith.constant 0 : i32
          %dma_wait3A_272 = arith.constant 0 : i32
          %dma_wait3A_273 = tpu.memref_slice %run_scoped3A_2[%rem3A_258, %dma_wait3A_271, %dma_wait3A_272] : memref<2x128x128xf32, #tpu.memory_space<vmem>> -> memref<1x128x128xf32, #tpu.memory_space<vmem>>
          %dma_wait3A_274 = tpu.memref_squeeze %dma_wait3A_273 : memref<1x128x128xf32, #tpu.memory_space<vmem>> -> memref<128x128xf32, #tpu.memory_space<vmem>>
          tpu.wait_dma2 semaphore(%dma_wait3A_268 : memref<!tpu.dma_semaphore, #tpu.memory_space<semaphore_mem>>) src(%dma_wait3A_274 : memref<128x128xf32, #tpu.memory_space<vmem>>) dst(%dma_wait3A_270 : memref<128x128xf32, #tpu.memory_space<hbm>>)
          "tpu.trace_stop"() : () -> ()
        } else {
        }
        %and3A_237 = arith.constant true
        %and3A_238 = arith.andi %and3A_233, %and3A_237 : i1
        %add3A_239 = arith.constant 1 : i32
        %add3A_240 = arith.addi %scan3A_118, %add3A_239 : i32
        %select_n3A_241 = arith.select %and3A_238, %add3A_240, %scan3A_118 : i32
        %ne3A_242 = arith.cmpi ne, %add3A_124, %add3A_142 : i32
        %or3A_243 = arith.constant false
        %or3A_244 = arith.ori %or3A_243, %ne3A_242 : i1
        %or3A_245 = arith.ori %or3A_244, %eq3A_123 : i1
        %add3A_246 = arith.constant 1 : i32
        %add3A_247 = arith.addi %scan3A_116, %add3A_246 : i32
        %select_n3A_248 = arith.select %or3A_245, %add3A_247, %scan3A_116 : i32
        %add3A_249 = arith.constant 1 : i32
        %add3A_250 = arith.addi %scan3A_119, %add3A_249 : i32
        %select_n3A_251 = arith.constant true
        %select_n3A_252 = arith.select %select_n3A_251, %add3A_250, %scan3A_119 : i32
        %eq3A_253 = arith.constant 8 : i32
        %eq3A_254 = arith.cmpi eq, %select_n3A_252, %eq3A_253 : i32
        %select_n3A_255 = arith.constant 0 : i32
        %select_n3A_256 = arith.select %eq3A_254, %select_n3A_255, %select_n3A_252 : i32
        scf.yield %select_n3A_160, %select_n3A_248, %select_n3A_214, %select_n3A_241, %select_n3A_256 : i32, i32, i32, i32, i32
      }
      %scan3A_61 = arith.constant 8 : i32
      %sub3A = arith.constant 1 : i32
      %sub3A_62 = arith.subi %scan3A_60#4, %sub3A : i32
      %select_n3A_63 = arith.constant true
      %select_n3A_64 = arith.select %select_n3A_63, %sub3A_62, %scan3A_60#4 : i32
      %eq3A_65 = arith.constant -1 : i32
      %eq3A_66 = arith.cmpi eq, %select_n3A_64, %eq3A_65 : i32
      %select_n3A_67 = arith.constant 7 : i32
      %select_n3A_68 = arith.select %eq3A_66, %select_n3A_67, %select_n3A_64 : i32
      %add3A_69 = arith.addi %select_n3A_68, %mul3A_0 : i32
      %sub3A_70 = arith.constant 1 : i32
      %sub3A_71 = arith.subi %select_n3A_68, %sub3A_70 : i32
      %select_n3A_72 = arith.constant true
      %select_n3A_73 = arith.select %select_n3A_72, %sub3A_71, %select_n3A_68 : i32
      %eq3A_74 = arith.constant -1 : i32
      %eq3A_75 = arith.cmpi eq, %select_n3A_73, %eq3A_74 : i32
      %select_n3A_76 = arith.constant 7 : i32
      %select_n3A_77 = arith.select %eq3A_75, %select_n3A_76, %select_n3A_73 : i32
      %add3A_78 = arith.addi %select_n3A_77, %mul3A_0 : i32
      %add3A_79 = arith.constant 1 : i32
      %add3A_80 = arith.addi %select_n3A_68, %add3A_79 : i32
      %select_n3A_81 = arith.constant true
      %select_n3A_82 = arith.select %select_n3A_81, %add3A_80, %select_n3A_68 : i32
      %eq3A_83 = arith.constant 8 : i32
      %eq3A_84 = arith.cmpi eq, %select_n3A_82, %eq3A_83 : i32
      %select_n3A_85 = arith.constant 0 : i32
      %select_n3A_86 = arith.select %eq3A_84, %select_n3A_85, %select_n3A_82 : i32
      %add3A_87 = arith.addi %select_n3A_86, %mul3A_0 : i32
      %add3A_88 = arith.constant 1 : i32
      %add3A_89 = arith.addi %select_n3A_86, %add3A_88 : i32
      %select_n3A_90 = arith.constant true
      %select_n3A_91 = arith.select %select_n3A_90, %add3A_89, %select_n3A_86 : i32
      %eq3A_92 = arith.constant 8 : i32
      %eq3A_93 = arith.cmpi eq, %select_n3A_91, %eq3A_92 : i32
      %select_n3A_94 = arith.constant 0 : i32
      %select_n3A_95 = arith.select %eq3A_93, %select_n3A_94, %select_n3A_91 : i32
      %add3A_96 = arith.addi %select_n3A_95, %mul3A_0 : i32
      "tpu.trace_start"() <{level = 10 : i32, message = "ep_finalize"}> : () -> ()
      %rem3A_97 = arith.constant 2 : i32
      %rem3A_98 = arith.remui %scan3A_60#3, %rem3A_97 : i32
      %mul3A_99 = arith.constant 128 : i32
      %mul3A_100 = arith.muli %mul3A_99, %add3A_69 : i32
      %dma_wait3A = arith.constant 0 : i32
      %dma_wait3A_101 = arith.constant 0 : i32
      %dma_wait3A_102 = tpu.memref_slice %run_scoped3A_2[%rem3A_98, %dma_wait3A, %dma_wait3A_101] : memref<2x128x128xf32, #tpu.memory_space<vmem>> -> memref<1x128x128xf32, #tpu.memory_space<vmem>>
      %dma_wait3A_103 = tpu.memref_squeeze %dma_wait3A_102 : memref<1x128x128xf32, #tpu.memory_space<vmem>> -> memref<128x128xf32, #tpu.memory_space<vmem>>
      %dma_wait3A_104 = arith.constant 0 : i32
      %dma_wait3A_105 = tpu.memref_slice %arg4[%mul3A_100, %dma_wait3A_104] : memref<16384x128xf32, #tpu.memory_space<hbm>> -> memref<128x128xf32, #tpu.memory_space<hbm>>
      %dma_wait3A_106 = tpu.memref_slice %run_scoped3A_3[%rem3A_98] : memref<2x!tpu.dma_semaphore, #tpu.memory_space<semaphore_mem>> -> memref<1x!tpu.dma_semaphore, #tpu.memory_space<semaphore_mem>>
      %dma_wait3A_107 = tpu.memref_squeeze %dma_wait3A_106 : memref<1x!tpu.dma_semaphore, #tpu.memory_space<semaphore_mem>> -> memref<!tpu.dma_semaphore, #tpu.memory_space<semaphore_mem>>
      %dma_wait3A_108 = arith.constant 0 : i32
      %dma_wait3A_109 = tpu.memref_slice %arg4[%mul3A_100, %dma_wait3A_108] : memref<16384x128xf32, #tpu.memory_space<hbm>> -> memref<128x128xf32, #tpu.memory_space<hbm>>
      %dma_wait3A_110 = arith.constant 0 : i32
      %dma_wait3A_111 = arith.constant 0 : i32
      %dma_wait3A_112 = tpu.memref_slice %run_scoped3A_2[%rem3A_98, %dma_wait3A_110, %dma_wait3A_111] : memref<2x128x128xf32, #tpu.memory_space<vmem>> -> memref<1x128x128xf32, #tpu.memory_space<vmem>>
      %dma_wait3A_113 = tpu.memref_squeeze %dma_wait3A_112 : memref<1x128x128xf32, #tpu.memory_space<vmem>> -> memref<128x128xf32, #tpu.memory_space<vmem>>
      tpu.wait_dma2 semaphore(%dma_wait3A_107 : memref<!tpu.dma_semaphore, #tpu.memory_space<semaphore_mem>>) src(%dma_wait3A_113 : memref<128x128xf32, #tpu.memory_space<vmem>>) dst(%dma_wait3A_109 : memref<128x128xf32, #tpu.memory_space<hbm>>)
      "tpu.trace_stop"() : () -> ()
      tpu.yield
    }) : () -> ()
    return
  }
}

module attributes {stable_mosaic.version = 14 : i64} {
  func.func @_vq_body(%arg0: i32, %arg1: memref<512x32xf32, #tpu.memory_space<vmem>>, %arg2: memref<8192x32xf32, #tpu.memory_space<vmem>>, %arg3: memref<512x1xi32, #tpu.memory_space<vmem>>, %arg4: memref<1x1xf32, #tpu.memory_space<vmem>>, %arg5: memref<8192x32xf32, #tpu.memory_space<vmem>>, %arg6: memref<1x8192xf32, #tpu.memory_space<vmem>>) attributes {dimension_semantics = [#tpu.dimension_semantics<arbitrary>], iteration_bounds = array<i64: 32>, scalar_prefetch = 0 : i64, scratch_operands = 2 : i64, tpu.core_type = #tpu.core_type<tc>, window_params = [{transform_indices = @transform_0, window_bounds = array<i64: 512, 32>}, {pipeline_mode = #tpu.pipeline_mode<synchronous>, transform_indices = @transform_1, window_bounds = array<i64: 8192, 32>}, {transform_indices = @transform_2, window_bounds = array<i64: 512, 1>}, {pipeline_mode = #tpu.pipeline_mode<synchronous>, transform_indices = @transform_3, window_bounds = array<i64: 1, 1>}]} {
    %eq3A = arith.constant 0 : i32
    %eq3A_0 = arith.cmpi eq, %arg0, %eq3A : i32
    %convert_element_type3A = arith.extui %eq3A_0 : i1 to i32
    %cond3A = arith.constant 0 : i32
    %cond3A_1 = arith.cmpi ne, %convert_element_type3A, %cond3A : i32
    scf.if %cond3A_1 {
      %get3A_46 = arith.constant 0 : index
      %get3A_47 = arith.constant 0 : index
      %get3A_48 = vector.load %arg2[%get3A_46, %get3A_47] : memref<8192x32xf32, #tpu.memory_space<vmem>>, vector<8192x32xf32>
      %mul3A_49 = arith.constant -2.000000e+00 : f32
      %mul3A_50 = vector.broadcast %mul3A_49 : f32 to vector<8192x32xf32>
      %mul3A_51 = arith.mulf %mul3A_50, %get3A_48 : vector<8192x32xf32>
      %swap3A_52 = arith.constant 0 : index
      %swap3A_53 = arith.constant 0 : index
      %swap3A_54 = vector.load %arg5[%swap3A_52, %swap3A_53] : memref<8192x32xf32, #tpu.memory_space<vmem>>, vector<8192x32xf32>
      tpu.vector_store %arg5[%swap3A_52, %swap3A_53], %mul3A_51 {strides = array<i32>} : memref<8192x32xf32, #tpu.memory_space<vmem>>, vector<8192x32xf32>,
      %mul3A_55 = arith.mulf %get3A_48, %get3A_48 : vector<8192x32xf32>
      %reduce_sum3A_56 = arith.constant dense<0.000000e+00> : vector<8192xf32>
      %reduce_sum3A_57 = vector.multi_reduction <add>, %mul3A_55, %reduce_sum3A_56 [1] : vector<8192x32xf32> to vector<8192xf32>
      %broadcast_in_dim3A_58 = vector.shape_cast %reduce_sum3A_57 : vector<8192xf32> to vector<1x8192xf32>
      %swap3A_59 = arith.constant 0 : index
      %swap3A_60 = arith.constant 0 : index
      %swap3A_61 = vector.load %arg6[%swap3A_59, %swap3A_60] : memref<1x8192xf32, #tpu.memory_space<vmem>>, vector<1x8192xf32>
      tpu.vector_store %arg6[%swap3A_59, %swap3A_60], %broadcast_in_dim3A_58 {strides = array<i32>} : memref<1x8192xf32, #tpu.memory_space<vmem>>, vector<1x8192xf32>,
      %broadcast_in_dim3A_62 = arith.constant 0.000000e+00 : f32
      %broadcast_in_dim3A_63 = vector.broadcast %broadcast_in_dim3A_62 : f32 to vector<1x1xf32>
      %swap3A_64 = arith.constant 0 : index
      %swap3A_65 = arith.constant 0 : index
      %swap3A_66 = vector.load %arg4[%swap3A_64, %swap3A_65] : memref<1x1xf32, #tpu.memory_space<vmem>>, vector<1x1xf32>
      tpu.vector_store %arg4[%swap3A_64, %swap3A_65], %broadcast_in_dim3A_63 {strides = array<i32>} : memref<1x1xf32, #tpu.memory_space<vmem>>, vector<1x1xf32>,
    } else {
    }
    %get3A = arith.constant 0 : index
    %get3A_2 = arith.constant 0 : index
    %get3A_3 = vector.load %arg1[%get3A, %get3A_2] : memref<512x32xf32, #tpu.memory_space<vmem>>, vector<512x32xf32>
    %mul3A = arith.mulf %get3A_3, %get3A_3 : vector<512x32xf32>
    %reduce_sum3A = arith.constant dense<0.000000e+00> : vector<512xf32>
    %reduce_sum3A_4 = vector.multi_reduction <add>, %mul3A, %reduce_sum3A [1] : vector<512x32xf32> to vector<512xf32>
    %broadcast_in_dim3A = vector.shape_cast %reduce_sum3A_4 : vector<512xf32> to vector<512x1xf32>
    %get3A_5 = arith.constant 0 : index
    %get3A_6 = arith.constant 0 : index
    %get3A_7 = vector.load %arg5[%get3A_5, %get3A_6] : memref<8192x32xf32, #tpu.memory_space<vmem>>, vector<8192x32xf32>
    %dot_general3A = arith.constant dense<0.000000e+00> : vector<512x8192xf32>
    %dot_general3A_8 = tpu.matmul %get3A_3, %get3A_7, %dot_general3A {dimension_numbers = #tpu.dot_dimension_numbers<[1], [1], [0], [0], [0, 0, 1, 0], [], []>, transpose_lhs_hint = false} : vector<512x32xf32>, vector<8192x32xf32>, vector<512x8192xf32> -> vector<512x8192xf32>
    %add3A = vector.broadcast %broadcast_in_dim3A : vector<512x1xf32> to vector<512x8192xf32>
    %add3A_9 = arith.addf %add3A, %dot_general3A_8 : vector<512x8192xf32>
    %get3A_10 = arith.constant 0 : index
    %get3A_11 = arith.constant 0 : index
    %get3A_12 = vector.load %arg6[%get3A_10, %get3A_11] : memref<1x8192xf32, #tpu.memory_space<vmem>>, vector<1x8192xf32>
    %add3A_13 = vector.broadcast %get3A_12 : vector<1x8192xf32> to vector<512x8192xf32>
    %add3A_14 = arith.addf %add3A_9, %add3A_13 : vector<512x8192xf32>
    %slice3A = vector.extract_strided_slice %add3A_14 {offsets = [0, 0], sizes = [512, 4096], strides = [1, 1]} : vector<512x8192xf32> to vector<512x4096xf32>
    %slice3A_15 = vector.extract_strided_slice %add3A_14 {offsets = [0, 4096], sizes = [512, 4096], strides = [1, 1]} : vector<512x8192xf32> to vector<512x4096xf32>
    %reduce_min3A = arith.constant dense<0x7F800000> : vector<512xf32>
    %reduce_min3A_16 = vector.multi_reduction <minimumf>, %slice3A, %reduce_min3A [1] : vector<512x4096xf32> to vector<512xf32>
    %broadcast_in_dim3A_17 = vector.shape_cast %reduce_min3A_16 : vector<512xf32> to vector<512x1xf32>
    %reduce_min3A_18 = arith.constant dense<0x7F800000> : vector<512xf32>
    %reduce_min3A_19 = vector.multi_reduction <minimumf>, %slice3A_15, %reduce_min3A_18 [1] : vector<512x4096xf32> to vector<512xf32>
    %broadcast_in_dim3A_20 = vector.shape_cast %reduce_min3A_19 : vector<512xf32> to vector<512x1xf32>
    %argmin3A = tpu.reduce_index %slice3A {axis = 1 : i32, kind = #tpu.reduction_kind<arg_min>} : vector<512x4096xf32> -> vector<512xi32>
    %argmin3A_21 = tpu.reduce_index %slice3A_15 {axis = 1 : i32, kind = #tpu.reduction_kind<arg_min>} : vector<512x4096xf32> -> vector<512xi32>
    %convert_element_type3A_22 = arith.truncf %broadcast_in_dim3A_17 : vector<512x1xf32> to vector<512x1xbf16>
    %convert_element_type3A_23 = arith.extf %convert_element_type3A_22 : vector<512x1xbf16> to vector<512x1xf32>
    %bitcast_convert_type3A = tpu.bitcast %broadcast_in_dim3A_20 : vector<512x1xf32> -> vector<512x1xi32>
    %and3A = arith.constant -32768 : i32
    %and3A_24 = vector.broadcast %and3A : i32 to vector<512x1xi32>
    %and3A_25 = arith.andi %bitcast_convert_type3A, %and3A_24 : vector<512x1xi32>
    %bitcast_convert_type3A_26 = tpu.bitcast %and3A_25 : vector<512x1xi32> -> vector<512x1xf32>
    %le3A = arith.cmpf ole, %convert_element_type3A_23, %bitcast_convert_type3A_26 : vector<512x1xf32>
    %squeeze3A = vector.shape_cast %le3A : vector<512x1xi1> to vector<512xi1>
    %add3A_27 = arith.constant 4096 : i32
    %add3A_28 = vector.broadcast %add3A_27 : i32 to vector<512xi32>
    %add3A_29 = arith.addi %argmin3A_21, %add3A_28 : vector<512xi32>
    %select_n3A = arith.select %squeeze3A, %argmin3A, %add3A_29 : vector<512xi1>, vector<512xi32>
    %broadcast_in_dim3A_30 = vector.shape_cast %select_n3A : vector<512xi32> to vector<512x1xi32>
    %swap3A = arith.constant 0 : index
    %swap3A_31 = arith.constant 0 : index
    %swap3A_32 = vector.load %arg3[%swap3A, %swap3A_31] : memref<512x1xi32, #tpu.memory_space<vmem>>, vector<512x1xi32>
    tpu.vector_store %arg3[%swap3A, %swap3A_31], %broadcast_in_dim3A_30 {strides = array<i32>} : memref<512x1xi32, #tpu.memory_space<vmem>>, vector<512x1xi32>,
    %select_n3A_33 = arith.select %le3A, %broadcast_in_dim3A_17, %broadcast_in_dim3A_20 : vector<512x1xi1>, vector<512x1xf32>
    %get3A_34 = arith.constant 0 : index
    %get3A_35 = arith.constant 0 : index
    %get3A_36 = vector.load %arg4[%get3A_34, %get3A_35] : memref<1x1xf32, #tpu.memory_space<vmem>>, vector<1x1xf32>
    %reduce_sum3A_37 = vector.shape_cast %select_n3A_33 : vector<512x1xf32> to vector<1x512x1xf32>
    %reduce_sum3A_38 = arith.constant dense<0.000000e+00> : vector<1xf32>
    %reduce_sum3A_39 = vector.multi_reduction <add>, %reduce_sum3A_37, %reduce_sum3A_38 [1, 2] : vector<1x512x1xf32> to vector<1xf32>
    %reduce_sum3A_40 = vector.shape_cast %reduce_sum3A_39 : vector<1xf32> to vector<1x1x1xf32>
    %reduce_sum3A_41 = vector.extract %reduce_sum3A_40[0, 0, 0] : f32 from vector<1x1x1xf32>
    %reshape3A = vector.broadcast %reduce_sum3A_41 : f32 to vector<1x1xf32>
    %add3A_42 = arith.addf %get3A_36, %reshape3A : vector<1x1xf32>
    %swap3A_43 = arith.constant 0 : index
    %swap3A_44 = arith.constant 0 : index
    %swap3A_45 = vector.load %arg4[%swap3A_43, %swap3A_44] : memref<1x1xf32, #tpu.memory_space<vmem>>, vector<1x1xf32>
    tpu.vector_store %arg4[%swap3A_43, %swap3A_44], %add3A_42 {strides = array<i32>} : memref<1x1xf32, #tpu.memory_space<vmem>>, vector<1x1xf32>,
    return
  }
  func.func @transform_0(%arg0: i32) -> (i32, i32) {
    %c0_i32 = arith.constant 0 : i32
    %c0_i32_0 = arith.constant 0 : i32
    return %arg0, %c0_i32 : i32, i32
  }
  func.func @transform_1(%arg0: i32) -> (i32, i32) {
    %c0_i32 = arith.constant 0 : i32
    %c0_i32_0 = arith.constant 0 : i32
    %c0_i32_1 = arith.constant 0 : i32
    return %c0_i32, %c0_i32_0 : i32, i32
  }
  func.func @transform_2(%arg0: i32) -> (i32, i32) {
    %c0_i32 = arith.constant 0 : i32
    %c0_i32_0 = arith.constant 0 : i32
    return %arg0, %c0_i32 : i32, i32
  }
  func.func @transform_3(%arg0: i32) -> (i32, i32) {
    %c0_i32 = arith.constant 0 : i32
    %c0_i32_0 = arith.constant 0 : i32
    %c0_i32_1 = arith.constant 0 : i32
    return %c0_i32, %c0_i32_0 : i32, i32
  }
}

</mosaic_0001>

<sc_bundles>
// kernel: kernel.4.cloned.1.call-start
scs
__scs_entry_jumppad:
0x0: {  	(pc) =	sbr.rel $0x88, $3  }
0x1: {  	(tag) =	ssettag $0x0;
	lr =	simm.s32 $0x1  }
0x2: {  	[smem:$0x3F9F] =	sst lr;
	_ =	strace $0xD0000000  }
0x3: {  	_ = 	snop  }
0x4: {  	_ = 	snop  }
0x5: {  	_ = 	snop  }
0x6: {  	_ = 	snop  }
0x7: {  	_ = 	snop  }
__scs_overlays_trampoline_lowered:
0x8: {  	[smem:$0x3FAE] =	sst s0  }
0x9: {  	[smem:$0x3FAF] =	sst s1  }
0xa: {  	[smem:$0x3FB0] =	sst s2  }
0xb: {  	[smem:$0x3FB1] =	sst s3  }
0xc: {  	[smem:$0x3FB2] =	sst s4  }
0xd: {  	[smem:$0x3FB3] =	sst s5  }
0xe: {  	[smem:$0x3FB4] =	sst s6  }
0xf: {  	[smem:$0x3FB5] =	sst s7  }
0x10: {  	[smem:$0x3FB6] =	sst s8  }
0x11: {  	[smem:$0x3FB7] =	sst s9;
	s0 =	simm.s32 @!p0 $0x0  }
0x12: {  	s1 =	sld [smem:$0x3F9D];
	s0 =	simm.s32 @p0 $0x1  }
0x13: {  	[smem:$0x3FB8] =	sst s0;
	s0 =	simm.s32 @!p1 $0x0  }
0x14: {  	s2 =	sld [smem:$0x3F9C];
	s0 =	simm.s32 @p1 $0x1  }
0x15: {  	[smem:$0x3FB9] =	sst s0;
	s0 =	simm.s32 @!p2 $0x0  }
0x16: {  	s3 =	sld [smem:$0x3FDB];
	s0 =	simm.s32 @p2 $0x1  }
0x17: {  	s4 =	simm.s32 $0x1BF5;
	[smem:$0x3FBB] =	sst s0  }
0x18: {  	s0 =	sld [smem:$0x3F9E];
	_ =	swait.ge [sflag:s4], $0x0  }
0x19: {  	s7 =	sld [smem:$0x3F9F]  }
0x1a: {  	s8 =	sadd.s32 $0xFFFFE003, lr  }
0x1b: {  	s9 =	sadd.s32 $0xFFFFFEF7, lr;
	s5 =	simm.s32 $0xFFFFFFFF;
	p2 =	slt.u32 s8, $0xFFFFF086  }
0x1c: {  	p1 =	slt.u32 s9, $0xF7A;
	s5 =	simm.s32 @!p2 $0x0  }
0x1d: {  	s5 =	simm.s32 @p1 $0x1;
	p0 =	seq.s32 s7, s2  }
0x1e: {  	s7 =	smul.u32 @!p0 $0xF7A, s2;
	p2 =	seq.s32 @!p0 s5, $0x0  }
0x1f: {  	s9 =	smul.u32 $0xF7A, s1;
	s8 =	simm.s32 @!p0 $0x1BF5;
	p2 =	por !p2, p0  }
0x20: {  	[sflag:s8] =	ssyncset.s32 @!p0 $0xFFFFF086;
	s6 =	sadd.s32 @!p0 s3, s7;
	s7 =	simm.s32 @!p0 $0x108  }
0x21: {  	s3 =	sadd.s32 s3, s9;
	s6 =	sadd.s32 @!p0 $0x88, s6;
	s7 =	simm.s32 @p2 $0x1082  }
0x22: {  	[simem:s7], [sflag:s8] =	dma.local @!p0 [hbm:s6], $0xF7A  }
0x23: {  	s9 =	sor.u32 $0xD0000000, s2;
	s6 =	simm.s32 $0x108;
	_ =	swait.ge @!p0 [sflag:s8], $0x0  }
0x24: {  	s3 =	sadd.s32 $0x88, s3;
	s6 =	simm.s32 @!p1 $0x1082;
	[sflag:s4] =	ssyncset.s32 $0xFFFFF086  }
0x25: {  	[simem:s6], [sflag:s4] =	dma.local [hbm:s3], $0xF7A  }
0x26: {  	[smem:$0x3F9F] =	sst s1;
	(tag) =	ssettag s2;
	_ =	strace s9  }
0x27: {  	s1 =	sld [smem:$0x3FAF]  }
0x28: {  	s2 =	sld [smem:$0x3FB0]  }
0x29: {  	s4 =	sld [smem:$0x3FB2]  }
0x2a: {  	p0 =	seq.s32 s5, $0x0;
	s5 =	sld [smem:$0x3FB3]  }
0x2b: {  	s6 =	sld [smem:$0x3FB4]  }
0x2c: {  	s7 =	sld [smem:$0x3FB5]  }
0x2d: {  	s3 =	simm.s32 $0x108;
	s8 =	sld [smem:$0x3FB6]  }
0x2e: {  	s3 =	simm.s32 @!p0 $0x1082;
	s9 =	sld [smem:$0x3FB7]  }
0x2f: {  	lr =	sadd.s32 s0, s3;
	s0 =	sld [smem:$0x3FAE]  }
0x30: {  	s3 =	sld [smem:$0x3FB1]  }
0x31: {  	[smem:$0x3FBA] =	sst s10  }
0x32: {  	s10 =	sld [smem:$0x3FB8];
	_ =	sdelay $0x3  }
0x33: {  	p0 =	seq.s32 s10, $0x1;
	s10 =	sld [smem:$0x3FBA];
	_ =	sdelay $0x3  }
0x34: {  	[smem:$0x3FBA] =	sst s10  }
0x35: {  	s10 =	sld [smem:$0x3FB9];
	_ =	sdelay $0x3  }
0x36: {  	p1 =	seq.s32 s10, $0x1;
	s10 =	sld [smem:$0x3FBA];
	_ =	sdelay $0x3  }
0x37: {  	[smem:$0x3FBA] =	sst s10  }
0x38: {  	s10 =	sld [smem:$0x3FBB]  }
0x39: {  	_ = 	snop;
	(pc) =	sbr.ind lr, $3  }
0x3a: {  	_ = 	snop  }
0x3b: {  	_ = 	snop  }
0x3c: {  	p2 =	seq.s32 s10, $0x1;
	s10 =	sld [smem:$0x3FBA]  }
0x3d: {  	_ =	shalt  }
0x3e: {  	_ =	shalt  }
0x3f: {  	_ =	shalt  }
0x40: {  	_ =	shalt  }
0x41: {  	_ =	shalt  }
0x42: {  	_ =	shalt  }
0x43: {  	_ =	shalt  }
0x44: {  	_ =	shalt  }
0x45: {  	_ =	shalt  }
0x46: {  	_ =	shalt  }
0x47: {  	_ =	shalt  }
0x48: {  	_ =	shalt  }
0x49: {  	_ =	shalt  }
0x4a: {  	_ =	shalt  }
0x4b: {  	_ =	shalt  }
0x4c: {  	_ =	shalt  }
0x4d: {  	_ =	shalt  }
0x4e: {  	_ =	shalt  }
0x4f: {  	_ =	shalt  }
0x50: {  	_ =	shalt  }
0x51: {  	_ =	shalt  }
0x52: {  	_ =	shalt  }
0x53: {  	_ =	shalt  }
0x54: {  	_ =	shalt  }
0x55: {  	_ =	shalt  }
0x56: {  	_ =	shalt  }
0x57: {  	_ =	shalt  }
0x58: {  	_ =	shalt  }
0x59: {  	_ =	shalt  }
0x5a: {  	_ =	shalt  }
0x5b: {  	_ =	shalt  }
0x5c: {  	_ =	shalt  }
0x5d: {  	_ =	shalt  }
0x5e: {  	_ =	shalt  }
0x5f: {  	_ =	shalt  }
0x60: {  	_ =	shalt  }
0x61: {  	_ =	shalt  }
0x62: {  	_ =	shalt  }
0x63: {  	_ =	shalt  }
0x64: {  	_ =	shalt  }
0x65: {  	_ =	shalt  }
0x66: {  	_ =	shalt  }
0x67: {  	_ =	shalt  }
0x68: {  	_ =	shalt  }
0x69: {  	_ =	shalt  }
0x6a: {  	_ =	shalt  }
0x6b: {  	_ =	shalt  }
0x6c: {  	_ =	shalt  }
0x6d: {  	_ =	shalt  }
0x6e: {  	_ =	shalt  }
0x6f: {  	_ =	shalt  }
0x70: {  	_ =	shalt  }
0x71: {  	_ =	shalt  }
0x72: {  	_ =	shalt  }
0x73: {  	_ =	shalt  }
0x74: {  	_ =	shalt  }
0x75: {  	_ =	shalt  }
0x76: {  	_ =	shalt  }
0x77: {  	_ =	shalt  }
0x78: {  	_ =	shalt  }
0x79: {  	_ =	shalt  }
0x7a: {  	_ =	shalt  }
0x7b: {  	_ =	shalt  }
0x7c: {  	_ =	shalt  }
0x7d: {  	_ =	shalt  }
0x7e: {  	_ =	shalt  }
0x7f: {  	_ =	shalt  }
0x80: {  	_ =	shalt  }
0x81: {  	_ =	shalt  }
0x82: {  	_ =	shalt  }
0x83: {  	_ =	shalt  }
0x84: {  	_ =	shalt  }
0x85: {  	_ =	shalt  }
0x86: {  	_ =	shalt  }
0x87: {  	_ =	shalt  }
.Lfunc_end0:
.L_simem_size_0:
called_computation_lowered:
.L_overlay_start_0:
0x88: {  	s2 =	sld [smem:$0x3FD9]  }
0x89: {  	s3 =	sld [smem:$0x3FFE];
	_ =	sdelay $0x1  }
0x8a: {  	s1 =	srdreg.scid  }
0x8b: {  	s0 =	sand.u32 $0x1, s1  }
0x8c: {  	s14 =	sshll.u32 s0, $0xA;
	s2 =	sadd.s32 s3, s2  }
0x8d: {  	s2 =	sadd.s32 s2, s14  }
0x8e: {  	[smem:$0x3FC6] =	sst s2  }
0x8f: {  	_ = 	snop  }
0x90: {  	s2 =	sld [smem:$0x3FD0];
	_ =	sdelay $0x2  }
0x91: {  	s15 =	simm.s32 $0xA;
	s4 =	simm.s32 $0x10  }
0x92: {  	[smem:s4], [sflag:s15] =	dma.local [hbm:s2], $0x1  }
0x93: {  	_ =	swait.eq [sflag:s15], $0x1  }
0x94: {  	[sflag:s15] =	ssyncset.done $0x0  }
0x95: {  	[sflag:s15] =	ssyncadd.s32 $0xFFFFFFFF  }
0x96: {  	s16 =	sld [smem:$0x10];
	(tm) =	ssettm $0x1  }
0x97: {  	s17 =	sld [smem:$0x3FFB];
	_ =	sdelay $0x3  }
0x98: {  	_ =	strace s17  }
0x99: {  	s3 =	sld [smem:$0x3FFC];
	_ =	sdelay $0x3  }
0x9a: {  	_ =	strace s3  }
0x9b: {  	s3 =	sld [smem:$0x3FFD];
	_ =	sdelay $0x3  }
0x9c: {  	_ =	strace s3  }
0x9d: {  	_ =	strace $0x8FFFFFFF  }
0x9e: {  	s18 =	sld [smem:$0x3FDB];
	_ =	sdelay $0x1  }
0x9f: {  	s19 =	simm.s32 $_scs_section_size  }
0xa0: {  	s5 =	simm.s32 $_size__tile_overlayer_lowered;
	s6 =	simm.s32 $_tile_overlayer_lowered  }
0xa1: {  	s22 =	simm.s32 $0x1BFF;
	s21 =	sshll.u32 s6, $0x1;
	s3 =	sadd.s32 s19, s18  }
0xa2: {  	s7 =	simm.s32 $0x0;
	s20 =	sshll.u32 s5, $0x1;
	s5 =	sadd.s32 s21, s3  }
0xa3: {  	[timem:s7], [sflag:s22] =	dma.local [hbm:s5], s20  }
0xa4: {  	_ =	swait.ge [sflag:s22], s20  }
0xa5: {  	s4 =	ssub.s32 $0x0, s20;
	[sflag:s22] =	ssyncset.done $0x0  }
0xa6: {  	[sflag:s22] =	ssyncadd.s32 s4;
	_ =	sdelay $0x1  }
0xa7: {  	s23 =	simm.s32 $0x1B8B  }
0xa8: {  	_ =	swait.ge [sflag:s23], $0x1  }
0xa9: {  	[sflag:s23] =	ssyncset.done $0x0  }
0xaa: {  	s25 =	simm.s32 $0x1B8E;
	s24 =	sld [smem:$0x3FFE];
	[sflag:s23] =	ssyncadd.s32 $0xFFFFFFFF  }
0xab: {  	s26 =	simm.s32 $execute0_lowered;
	[smem:$0x3FD2] =	sst s25  }
0xac: {  	s5 =	sshll.u32 s26, $0x1;
	_ =	strace $0x80000046;
	[dreg:$0x1] =	wrdreg $0xFFFFFFFF  }
0xad: {  	s28 =	simm.s32 $_size_execute0_lowered;
	s3 =	sadd.s32 s3, s5;
	[dreg:$0x0] =	wrdreg $0x0  }
0xae: {  	s5 =	sshll.u32 s28, $0x1;
	[dreg:$0x2] =	wrdreg s3  }
0xaf: {  	[dreg:$0x3] =	wrdreg s5  }
0xb0: {  	[dreg:$0x4] =	wrdreg $0xC0  }
0xb1: {  	_ =	task [dreg:s7], $0x5FFFF  }
0xb2: {  	[dreg:$0x1] =	wrdreg $0xFFFFFFFF  }
0xb3: {  	[dreg:$0x0] =	wrdreg $0x60  }
0xb4: {  	[dreg:$0x2] =	wrdreg s24  }
0xb5: {  	[dreg:$0x3] =	wrdreg s16  }
0xb6: {  	[dreg:$0x4] =	wrdreg $0x9  }
0xb7: {  	_ =	task.clear_ibuf [dreg:s7], $0x5FFFF;
	_ =	strace $0x90000046  }
0xb8: {  	s29 =	simm.s32 $0x9;
	_ =	strace $0x8000004F  }
0xb9: {  	_ =	swait.ge [sflag:s29], $0x1  }
0xba: {  	[sflag:s29] =	ssyncadd.s32 $0xFFFFFFFF  }
0xbb: {  	_ =	strace $0x9000004F  }
0xbc: {  	_ =	sfence  }
0xbd: {  	s30 =	sld [smem:$0x0];
	_ =	sdelay $0x2  }
0xbe: {  	s31 =	sshll.u32 s1, $0xD;
	s1 =	sshrl.u32 s1, $0x2  }
0xbf: {  	s3 =	sand.u32 $0x4000, s31;
	s1 =	sadd.s32 s1, s30  }
0xc0: {  	s0 =	sor.u32 s3, s0;
	s1 =	sshll.u32 s1, $0x11  }
0xc1: {  	s0 =	sor.u32 s1, s0  }
0xc2: {  	s0 =	sadd.s32 $0x8F2B, s0  }
0xc3: {  	[sflag:s0] =	ssyncadd.remote.s32 $0x1  }
0xc4: {  	_ =	sfence.sel $0xFFFF  }
0xc5: {  	[dreg:$0x0] =	wrdreg $0xFFFFFFFF;
	(pc) =	sbr.abs _section_cstart, $3  }
0xc6: {  	[dreg:$0x1] =	wrdreg $0xFFFFFFFF  }
0xc7: {  	_ =	task.clear_ibuf [dreg:s7], $0x2FFFF;
	_ =	strace $0x9FFFFFFF  }
0xc8: {  	(tm) =	ssettm $0x7FFFFFFF  }
0xc9: {  	_ =	shalt  }
tec
execute0_lowered:
.L_overlay_start_1:
0x0: {  	(tag) =	ssettag $0x1  }
0x1: {  	s3 =	rddreg [dreg:$0x0]  }
0x2: {  	s1 =	rddreg [dreg:$0x1]  }
0x3: {  	s0 =	rddreg [dreg:$0x2];
	s2 =	simm.s32 $0x0;
	s4 =	srdreg.scid  }
0x4: {  	s8 =	simm.s32 $0x80;
	s7 =	simm.s32 $0x1;
	s9 =	simm.s32 $0x4  }
0x5: {  	s10 =	simm.s32 $0x0;
	[smem:$0x7FF] =	sst s2;
	s5 =	sadd.s32 $0x600, s3  }
0x6: {  	s4 =	sand.u32 $0x1, s4;
	s30 =	sadd.s32 $0x20600, s3;
	s3 =	stileid.u32  }
0x7: {  	_ =	strace $0x80000047;
	[dreg:$0x3] =	wrdreg s5;
	s4 =	ssub.s32 $0x2, s4  }
0x8: {  	[dreg:$0x5] =	wrdreg s30;
	s31 =	sshll.u32 s3, $0x7;
	s6 =	sshrl.u32 s4, $0x1  }
0x9: {  	[dreg:$0x4] =	wrdreg s8;
	s8 =	simm.s32 $0x5;
	s6 =	ssub.s32 s4, s6  }
0xa: {  	s5 =	sadd.s32 s1, s31;
	s4 =	sshll.u32 s3, $0x3;
	s6 =	smax.u32 s6, $0x1  }
.LBB2_1:
0xb: {  	_ =	strace $0x80000048;
	s11 =	simm.s32 $0x1;
	p0 =	por $0x0, $0x0  }
0xc: {  	[tilespmem:s2], [sflag:$0x1] =	stream.linear.gather [hbm4b:s5+s2], $0x80, $0x200038;
	[tilespmem:$0x8100] =	vst v63  }
0xd: {  	s11 =	simm.s32 @p0 $0x0  }
0xe: {  	p4 =	por $0x1, $0x1;
	s20 =	sand.u32 $0x1, s2;
	p1 =	sne.s32 s11, $0x0  }
0xf: {  	p2 =	por $0x1, $0x1;
	s18 =	simm.s32 $0x6;
	p0 =	por !p4, !p1  }
0x10: {  	s16 =	simm.s32 $0x0;
	p5 =	por $0x0, $0x0;
	p0 =	por !p0, !p0  }
0x11: {  	s23 =	sadd.s32 $0x0, s4;
	s30 =	sadd.s32 $0x1, s20;
	s12 =	sadd.s32 @p0 s4, s11  }
0x12: {  	_ =	strace $0x90000048;
	s13 =	sand.u32 @p0 $0x1, s7;
	s12 =	sshll.u32 @p0 s12, $0x4  }
0x13: {  	_ =	strace @p0 $0x80000049;
	s15 =	simm.s32 @p0 $0x0;
	s12 =	sand.u32 @p0 $0x1FFFFFF0, s12  }
0x14: {  	s14 =	sshll.u32 @p0 s13, $0x7;
	s13 =	sadd.s32 @p0 $0x1, s13;
	s12 =	sadd.s32 @p0 s1, s12  }
0x15: {  	[tilespmem:s14], [sflag:s13] =	stream.linear.gather @p0 [hbm4b:s12+s15], $0x80, $0x200038;
	[tilespmem:$0x8100] =	vst v63  }
0x16: {  	p3 =	por p2, p2;
	s21 =	sshll.u32 s20, $0xE;
	_ =	strace @p0 $0x90000049  }
0x17: {  	s16 =	sand.u32 $0x80, s16;
	p2 =	por p5, p5;
	_ =	strace $0x8000004A  }
0x18: {  	s17 =	sadd.s32 $0x1, s11;
	s22 =	sor.u32 $0x100, s21;
	_ =	swait.ge [sflag:s30], $0x80  }
0x19: {  	s21 =	simm.s32 $0x1;
	p6 =	por p1, p1;
	[sflag:s30] =	ssyncset.done $0x0  }
0x1a: {  	p1 =	por p3, p3;
	p4 =	por $0x1, $0x1;
	[sflag:s30] =	ssyncadd.s32 $0xFFFFFF80  }
0x1b: {  	s12 =	simm.s32 $0x7;
	s15 =	sand.u32 @!p3 $0x1, s2;
	_ =	strace $0x9000004A  }
0x1c: {  	s13 =	simm.s32 $0x1;
	p3 =	seq.s32 s17, $0x8;
	_ =	strace $0x8000004B  }
0x1d: {  	s13 =	simm.s32 @!p0 $0x0;
	s17 =	simm.s32 @p3 $0x0;
	s19 =	rddreg [dreg:$0x4]  }
0x1e: {  	p0 =	por $0x0, $0x0;
	s14 =	sadd.s32 $0x1, s13;
	s31 =	rddreg [dreg:$0x3]  }
0x1f: {  	[tilespmem:s22], [sflag:$0x5] =	stream.indirect.gather [hbm4b:s31+s19], $0x80, s16, s19, $0x2000b8;
	[tilespmem:$0x8100] =	vst v63  }
0x20: {  	p3 =	sne.s32 s11, s17;
	s21 =	simm.s32 @!p0 $0x0;
	_ =	swait.ge [sflag:s8], $0x4000  }
0x21: {  	p5 =	por !p4, !p3;
	p4 =	por $0x0, $0x0;
	[sflag:s8] =	ssyncset.done $0x0  }
0x22: {  	s13 =	simm.s32 $0x0;
	p6 =	por p4, p6;
	[sflag:s8] =	ssyncadd.s32 $0xFFFFC000  }
0x23: {  	s16 =	simm.s32 $0x0;
	s19 =	simm.s32 $0x0;
	_ =	strace $0x9000004B  }
.LBB2_2:
0x24: {  	_ =	strace @p6 $0x8000004C;
	s13 =	sadd.s32 s21, s13;
	s21 =	smov.u32 s12  }
0x25: {  	s12 =	smov.u32 s18;
	s18 =	sadd.s32 $0xFFFFFFFF, s18;
	p0 =	por p3, p3  }
0x26: {  	s28 =	sshll.u32 @p6 s23, $0xB;
	s20 =	sadd.s32 @p6 $0x3, s20;
	s24 =	simm.s32 @!p0 $0x0  }
0x27: {  	s25 =	rddreg [dreg:$0x5];
	s28 =	sand.u32 @p6 $0x1FFFF800, s28;
	s24 =	simm.s32 @p0 $0x1  }
0x28: {  	s25 =	sadd.s32 @p6 s25, s28;
	s28 =	simm.s32 @p6 $0x0;
	p0 =	sne.s32 s18, $0x0  }
0x29: {  	[hbm4b:s25+s28] =	stream.linear.scatter @p6 [tilespmem:s22], [sflag:s20], $0x4000, $0x200038;
	[tilespmem:$0x8100] =	vst v63  }
0x2a: {  	s20 =	sadd.s32 @!p1 $0x3, s15;
	s15 =	simm.s32 @!p0 $0x0  }
0x2b: {  	s26 =	simm.s32 $0x1;
	[smem:$0x7FC] =	sst s24;
	s15 =	simm.s32 @p0 $0x1  }
0x2c: {  	s26 =	simm.s32 @!p6 $0x0;
	_ =	strace @p6 $0x9000004C;
	[smem:$0x7FD] =	sst s15  }
0x2d: {  	p5 =	por !p5, !p5;
	s19 =	sadd.s32 s26, s19;
	_ =	strace @!p1 $0x8000004D  }
0x2e: {  	s24 =	sand.u32 @!p2 $0x1, s13;
	s22 =	sand.u32 @p5 $0x1, s14;
	_ =	swait.ge @!p1 [sflag:s20], $0x4000  }
0x2f: {  	s15 =	smov.u32 s24;
	s24 =	sadd.s32 @p5 s4, s17;
	[sflag:s20] =	ssyncset.done @!p1 $0x0  }
0x30: {  	s25 =	sshll.u32 @p5 s22, $0x7;
	s24 =	sshll.u32 @p5 s24, $0x4;
	[sflag:s20] =	ssyncadd.s32 @!p1 $0xFFFFC000  }
0x31: {  	s20 =	sadd.s32 @p5 $0x1, s22;
	s22 =	sand.u32 @p5 $0x1FFFFFF0, s24;
	_ =	strace @!p1 $0x9000004D  }
0x32: {  	s24 =	simm.s32 @p5 $0x0;
	s22 =	sadd.s32 @p5 s1, s22;
	_ =	strace @p5 $0x80000049  }
0x33: {  	[tilespmem:s25], [sflag:s20] =	stream.linear.gather @p5 [hbm4b:s22+s24], $0x80, $0x200038;
	[tilespmem:$0x8100] =	vst v63  }
0x34: {  	s16 =	sadd.s32 s26, s16;
	s26 =	sand.u32 $0x1, s19;
	_ =	strace @p5 $0x90000049  }
0x35: {  	s24 =	sadd.s32 $0x1, s26;
	_ =	strace $0x8000004A  }
0x36: {  	_ =	swait.ge [sflag:s24], $0x80  }
0x37: {  	[sflag:s24] =	ssyncset.done $0x0  }
0x38: {  	s20 =	simm.s32 $0x1;
	[sflag:s24] =	ssyncadd.s32 $0xFFFFFF80  }
0x39: {  	s20 =	simm.s32 @!p5 $0x0;
	_ =	strace $0x9000004A  }
0x3a: {  	s14 =	sadd.s32 s20, s14;
	s20 =	sand.u32 $0x1, s16;
	_ =	strace $0x8000004B  }
0x3b: {  	s29 =	sshll.u32 s19, $0x7;
	s25 =	sshll.u32 s20, $0xE;
	s26 =	rddreg [dreg:$0x4]  }
0x3c: {  	s29 =	sand.u32 $0x80, s29;
	s22 =	sor.u32 $0x100, s25;
	s30 =	rddreg [dreg:$0x3]  }
0x3d: {  	[tilespmem:s22], [sflag:$0x5] =	stream.indirect.gather [hbm4b:s30+s26], $0x80, s29, s26, $0x2000b8;
	[tilespmem:$0x8100] =	vst v63  }
0x3e: {  	_ =	swait.ge [sflag:s8], $0x4000  }
0x3f: {  	s31 =	sadd.s32 $0x1, s17;
	[sflag:s8] =	ssyncset.done $0x0  }
0x40: {  	s23 =	sadd.s32 s4, s11;
	s11 =	smov.u32 s17;
	[sflag:s8] =	ssyncadd.s32 $0xFFFFC000  }
0x41: {  	p3 =	seq.s32 s31, $0x8;
	s17 =	smov.u32 s31;
	_ =	strace $0x9000004B  }
0x42: {  	s17 =	simm.s32 @p3 $0x0;
	s31 =	sld [smem:$0x7FD]  }
0x43: {  	p6 =	sne.s32 s12, $0x1;
	p0 =	sne.s32 s21, $0x8;
	p3 =	sne.s32 s11, s17  }
0x44: {  	p5 =	por !p6, !p3;
	p6 =	seq.s32 s21, $0x1;
	s21 =	simm.s32 $0x1  }
0x45: {  	s21 =	simm.s32 @!p0 $0x0;
	p0 =	seq.s32 s31, $0x1  }
.Ltmp0:
0x46: {  	s30 =	sld [smem:$0x7FC];
	(pc) =	sbr.rel @p0 .LBB2_2-.Ltmp0, $4  }
0x47: {  	_ = 	snop  }
0x48: {  	p4 =	seq.s32 s12, $0x8  }
0x49: {  	p1 =	por p2, p2;
	p2 =	por p4, p4;
	p4 =	seq.s32 s30, $0x1  }
0x4a: {  	p6 =	por p6, p4  }
0x4b: {  	_ =	strace @p6 $0x8000004C;
	s23 =	sshll.u32 @p6 s23, $0xB  }
0x4c: {  	s18 =	rddreg [dreg:$0x5];
	s23 =	sand.u32 @p6 $0x1FFFF800, s23  }
0x4d: {  	s20 =	sadd.s32 @p6 $0x3, s20;
	s18 =	sadd.s32 @p6 s18, s23;
	s23 =	simm.s32 @p6 $0x0  }
0x4e: {  	[hbm4b:s18+s23] =	stream.linear.scatter @p6 [tilespmem:s22], [sflag:s20], $0x4000, $0x200038;
	[tilespmem:$0x8100] =	vst v63  }
0x4f: {  	p0 =	por !p5, !p5;
	_ =	strace @p6 $0x9000004C  }
0x50: {  	s15 =	sadd.s32 @!p1 $0x3, s15;
	s17 =	sadd.s32 @p0 s4, s17;
	_ =	strace @!p1 $0x8000004D  }
0x51: {  	s14 =	sand.u32 @p0 $0x1, s14;
	s17 =	sshll.u32 @p0 s17, $0x4;
	_ =	swait.ge @!p1 [sflag:s15], $0x4000  }
0x52: {  	s18 =	simm.s32 $0x1;
	s20 =	sshll.u32 @p0 s14, $0x7;
	[sflag:s15] =	ssyncset.done @!p1 $0x0  }
0x53: {  	s14 =	sadd.s32 @p0 $0x1, s14;
	s18 =	simm.s32 @!p6 $0x0;
	[sflag:s15] =	ssyncadd.s32 @!p1 $0xFFFFC000  }
0x54: {  	s19 =	sadd.s32 s18, s19;
	s15 =	sand.u32 @p0 $0x1FFFFFF0, s17;
	_ =	strace @!p1 $0x9000004D  }
0x55: {  	s17 =	simm.s32 @p0 $0x0;
	s15 =	sadd.s32 @p0 s1, s15;
	_ =	strace @p0 $0x80000049  }
0x56: {  	[tilespmem:s20], [sflag:s14] =	stream.linear.gather @p0 [hbm4b:s15+s17], $0x80, $0x200038;
	[tilespmem:$0x8100] =	vst v63  }
0x57: {  	s25 =	sand.u32 $0x1, s19;
	_ =	strace @p0 $0x90000049  }
0x58: {  	s14 =	sadd.s32 $0x1, s25;
	_ =	strace $0x8000004A  }
0x59: {  	_ =	swait.ge [sflag:s14], $0x80  }
0x5a: {  	[sflag:s14] =	ssyncset.done $0x0  }
0x5b: {  	[sflag:s14] =	ssyncadd.s32 $0xFFFFFF80  }
0x5c: {  	s26 =	sadd.s32 s18, s16;
	_ =	strace $0x9000004A  }
0x5d: {  	s14 =	sand.u32 $0x1, s26;
	_ =	strace $0x8000004B  }
0x5e: {  	s30 =	sshll.u32 s19, $0x7;
	s31 =	sshll.u32 s14, $0xE;
	s28 =	rddreg [dreg:$0x4]  }
0x5f: {  	s17 =	sand.u32 $0x80, s30;
	s18 =	sor.u32 $0x100, s31;
	s29 =	rddreg [dreg:$0x3]  }
0x60: {  	[tilespmem:s18], [sflag:$0x5] =	stream.indirect.gather [hbm4b:s29+s28], $0x80, s17, s28, $0x2000b8;
	[tilespmem:$0x8100] =	vst v63  }
0x61: {  	_ =	swait.ge [sflag:s8], $0x4000  }
0x62: {  	[sflag:s8] =	ssyncset.done $0x0  }
0x63: {  	p5 =	por p3, p3;
	p6 =	seq.s32 s12, $0x1;
	[sflag:s8] =	ssyncadd.s32 $0xFFFFC000  }
0x64: {  	s11 =	sadd.s32 s4, s11;
	p0 =	por p6, p5;
	_ =	strace $0x9000004B  }
0x65: {  	s11 =	sshll.u32 @p0 s11, $0xB;
	_ =	strace @p0 $0x8000004C  }
0x66: {  	s13 =	sadd.s32 s21, s13;
	s11 =	sand.u32 @p0 $0x1FFFF800, s11;
	s12 =	rddreg [dreg:$0x5]  }
0x67: {  	s14 =	sadd.s32 @p0 $0x3, s14;
	s11 =	sadd.s32 @p0 s12, s11;
	s12 =	simm.s32 @p0 $0x0  }
0x68: {  	[hbm4b:s11+s12] =	stream.linear.scatter @p0 [tilespmem:s18], [sflag:s14], $0x4000, $0x200038;
	[tilespmem:$0x8100] =	vst v63  }
0x69: {  	p1 =	por p2, p2;
	s11 =	sand.u32 @!p2 $0x1, s13;
	_ =	strace @p0 $0x9000004C  }
0x6a: {  	s11 =	sadd.s32 @!p1 $0x3, s11;
	_ =	strace @!p1 $0x8000004D  }
0x6b: {  	_ =	swait.ge @!p1 [sflag:s11], $0x4000  }
0x6c: {  	[sflag:s11] =	ssyncset.done @!p1 $0x0  }
0x6d: {  	s10 =	sadd.s32 $0x1, s10;
	[sflag:s11] =	ssyncadd.s32 @!p1 $0xFFFFC000  }
0x6e: {  	p0 =	sne.s32 s10, s6;
	_ =	strace @!p1 $0x9000004D  }
.Ltmp1:
0x6f: {  	_ =	strace $0x8000004E;
	(pc) =	sbr.rel @p0 .LBB2_1-.Ltmp1, $4  }
0x70: {  	_ =	swait.ge [sflag:s9], $0x4000  }
0x71: {  	[sflag:s9] =	ssyncset.done $0x0  }
0x72: {  	[sflag:s9] =	ssyncadd.s32 $0xFFFFC000  }
0x73: {  	_ =	strace $0x9000004E  }
0x74: {  	_ =	sfence.sel $0x180000  }
0x75: {  	[bflag:$0x0] =	sbarrier.arrive $0xFFFF  }
0x76: {  	p0 =	sne.s32 s3, $0x0;
	_ =	strace $0x90000047  }
0x77: {  	s0 =	sadd.s32 @!p0 $0x100000, s0;
	[bflag:$0x2] =	sbarrier.arrive $0xFFFF  }
0x78: {  	[sflag:s0] =	ssyncadd.tile.s32 @!p0 $0x1;
	_ =	shalt  }
.Lfunc_end2:
_tile_overlayer_lowered:
.L_overlay_start_2:
0x79: {  	(tag) =	ssettag $0x2  }
0x7a: {  	s0 =	rddreg [dreg:$0x0];
	s2 =	stileid.u32  }
0x7b: {  	s1 =	rddreg [dreg:$0x1];
	p0 =	sne.s32 s2, $0x0  }
0x7c: {  	s3 =	rddreg [dreg:$0x2];
	[bflag:$0x3] =	sbarrier.arrive $0xFFFF;
	s2 =	simm.s32 @!p0 $0x1C01  }
0x7d: {  	[timem:s3], [sflag:s2] =	dma.local @!p0 [hbm:s0], s1  }
0x7e: {  	s0 =	simm.s32 @!p0 $0x1  }
0x7f: {  	_ =	swait.ge @!p0 [sflag:s0], s1  }
0x80: {  	s1 =	ssub.s32 @!p0 $0x0, s1;
	[sflag:s0] =	ssyncset.done @!p0 $0x0  }
0x81: {  	[sflag:s0] =	ssyncadd.s32 @!p0 s1  }
0x82: {  	[bflag:$0x3] =	sbarrier.arrive $0xFFFF  }
0x83: {  	_ =	shalt  }

</sc_bundles>
